<compile_context>
chip_gen: v7x
topology: tpu7x:2x2x1
jax: 0.10.2.dev20260603
libtpu: 0.0.44.dev20260713+nightly
codegen_flags: <defaults>
</compile_context>

<pallas_src>
import functools

import jax
import jax.numpy as jnp
from jax import lax
from jax.experimental import pallas as pl
from jax.experimental.pallas import tpu as pltpu

B = 32
C = 3
NP = 16
PATCH = 32
EMB = PATCH * PATCH * C
NUM_EMB = NP * NP
ROWS_C = PATCH * PATCH


def _sc_gather(table, idx):
    from jax.experimental.pallas import tpu_sc as plsc

    mesh = plsc.VectorSubcoreMesh(core_axis_name="c", subcore_axis_name="s")
    nw = 32
    bpw = NUM_EMB // nw

    @functools.partial(
        pl.kernel,
        mesh=mesh,
        out_type=jax.ShapeDtypeStruct((NUM_EMB, EMB), jnp.float32),
        scratch_types=[
            pltpu.VMEM((bpw,), jnp.int32),
            pltpu.VMEM((bpw, EMB), jnp.float32),
            pltpu.SemaphoreType.DMA,
        ],
    )
    def k(table_hbm, idx_hbm, out_hbm, idx_v, rows_v, sem):
        wid = lax.axis_index("s") * 2 + lax.axis_index("c")
        base = wid * bpw
        pltpu.sync_copy(idx_hbm.at[0, pl.ds(base, bpw)], idx_v)
        pltpu.async_copy(table_hbm.at[idx_v], rows_v, sem).wait()
        pltpu.sync_copy(rows_v, out_hbm.at[pl.ds(base, bpw)])

    return k(table, idx)


def _tc_body(x_ref, pe_ref, o_ref):
    _bc = lax.bitcast_convert_type
    xb = x_ref[0]
    y = xb.reshape(C, NP, PATCH, 512).transpose(0, 2, 1, 3)
    y2 = _bc(y.reshape(C, PATCH, NP * 512), jnp.int32)
    i2 = _bc(y2.reshape(C * PATCH, NP * 512), jnp.float32)
    h = i2.T
    h = h.reshape(NUM_EMB, PATCH, C * PATCH).transpose(1, 0, 2)
    f3 = h.reshape(NP * 512, C * PATCH).T
    g = _bc(f3.reshape(C * PATCH, PATCH, NUM_EMB), jnp.int32)
    pf = g.reshape(C * ROWS_C, NUM_EMB)
    pf = _bc(_bc(pf, jnp.float32), jnp.int32)
    gg = pf.reshape(NUM_EMB, C * 4, NUM_EMB)
    o_ref[0] = _bc(gg.reshape(NUM_EMB, EMB), jnp.float32) + pe_ref[...]


def _tc_unfold_add(x, pe_r, interpret=False):
    return pl.pallas_call(
        _tc_body,
        grid=(B,),
        in_specs=[
            pl.BlockSpec((1, C, NP * PATCH, NP * PATCH), lambda b: (b, 0, 0, 0)),
            pl.BlockSpec((NUM_EMB, EMB), lambda b: (0, 0)),
        ],
        out_specs=pl.BlockSpec((1, NUM_EMB, EMB), lambda b: (b, 0, 0)),
        out_shape=jax.ShapeDtypeStruct((B, NUM_EMB, EMB), jnp.float32),
        compiler_params=pltpu.CompilerParams(
            dimension_semantics=("parallel",),
        ),
        interpret=interpret,
    )(x, pe_r)


def kernel(x, table, positional_tokens):
    pe = _sc_gather(table, positional_tokens)
    return _tc_unfold_add(x, pe)

# --- scband reference (transcript-rebuilt; emitter-appended) ---
"""Pipeline reference for scband-image-embedding-13400297963625 (READ-ONLY COPY).

The authoritative reference and input builder live on the scoring server;
editing this copy changes nothing except your own understanding.
"""

import jax, jax.numpy as jnp
import numpy as np

B = 32
C = 3
IMAGE_SIZE = 512
NUM_PATCHES = 16
PATCH = IMAGE_SIZE // NUM_PATCHES  # 32
EMB = PATCH * PATCH * C            # 3072
NUM_EMB = NUM_PATCHES * NUM_PATCHES  # 256
PAD_IDX = 0


def setup_inputs(seed: int = 0) -> dict:
    key = jax.random.key(seed)
    k1, k2, k3 = jax.random.split(key, 3)
    x = jax.random.normal(k1, (B, C, IMAGE_SIZE, IMAGE_SIZE), dtype=jnp.float32)
    # nn.Embedding weight, with padding row zeroed (matches padding_idx behavior at init)
    table = jax.random.normal(k2, (NUM_EMB, EMB), dtype=jnp.float32)
    table = table.at[PAD_IDX].set(0.0)
    # registered buffer: random positional token ids in [0, NUM_EMB)
    positional_tokens = jax.random.randint(k3, (1, NUM_EMB), 0, NUM_EMB, dtype=jnp.int32)
    return {"x": x, "table": table, "positional_tokens": positional_tokens}


def _unfold(x):
    # torch.nn.Unfold(kernel_size=PATCH, stride=PATCH) on [B, C, H, W]
    # output [B, C*k*k, L] with channel-major (c, kh, kw) ordering and
    # L = num_patches^2 enumerated row-major (ph, pw).
    Bn = x.shape[0]
    p = x.reshape(Bn, C, NUM_PATCHES, PATCH, NUM_PATCHES, PATCH)
    p = jnp.transpose(p, (0, 1, 3, 5, 2, 4))  # (B, C, kh, kw, ph, pw)
    return p.reshape(Bn, C * PATCH * PATCH, NUM_PATCHES * NUM_PATCHES)


def reference(x, table, positional_tokens):
    Bn = x.shape[0]
    patches = _unfold(x)                      # [B, EMB, L]
    # faithful to torch: raw .view(B, -1, EMB) on the [B, EMB, L] tensor
    img_emb = patches.reshape(Bn, -1, EMB)    # [B, L, EMB] (raw reshape, not transpose)
    pe = jnp.take(table, positional_tokens, axis=0)  # [1, NUM_EMB, EMB]
    return img_emb + pe

if __name__ == "__main__":
    import jax
    _d = setup_inputs()
    print(jax.jit(kernel)(*tuple(_d.values())))

</pallas_src>

<mosaic_0001>
#map = affine_map<(d0, d1) -> (0, 0)>
module attributes {stable_mosaic.version = 14 : i64} {
  func.func @k(%arg0: i32, %arg1: i32, %arg2: memref<256x3072xf32, #tpu.memory_space<hbm>>, %arg3: memref<1x256xi32, #tpu.memory_space<hbm>>, %arg4: memref<256x3072xf32, #tpu.memory_space<hbm>>, %arg5: memref<8xi32, #tpu.memory_space<vmem>>, %arg6: memref<8x3072xf32, #tpu.memory_space<vmem>>, %arg7: memref<!tpu.dma_semaphore, #tpu.memory_space<semaphore_mem>>) attributes {dimension_semantics = [#tpu.dimension_semantics<core_parallel>, #tpu.dimension_semantics<subcore_parallel>], iteration_bounds = array<i64: 2, 16>, scalar_prefetch = 0 : i64, scratch_operands = 3 : i64, tpu.core_type = #tpu.core_type<sc_vector_subcore>, window_params = [{transform_indices = #map}, {transform_indices = #map}, {transform_indices = #map}]} {
    %mul3A = arith.constant 2 : i32
    %mul3A_0 = arith.muli %arg1, %mul3A : i32
    %add3A = arith.addi %mul3A_0, %arg0 : i32
    %mul3A_1 = arith.constant 8 : i32
    %mul3A_2 = arith.muli %add3A, %mul3A_1 : i32
    %run_scoped3A = arith.constant 0 : i32
    "tpu.region"() ({
      %run_scoped3A_7 = tpu.sem_alloc : memref<!tpu.dma_semaphore, #tpu.memory_space<semaphore_mem>>
      %dma_start3A_8 = tpu.memref_slice %arg3[%run_scoped3A, %mul3A_2] : memref<1x256xi32, #tpu.memory_space<hbm>> -> memref<1x8xi32, #tpu.memory_space<hbm>>
      %dma_start3A_9 = tpu.memref_squeeze %dma_start3A_8 : memref<1x8xi32, #tpu.memory_space<hbm>> -> memref<8xi32, #tpu.memory_space<hbm>>
      %dma_start3A_10 = tpu.memref_slice %arg3[%run_scoped3A, %mul3A_2] : memref<1x256xi32, #tpu.memory_space<hbm>> -> memref<1x8xi32, #tpu.memory_space<hbm>>
      %dma_start3A_11 = tpu.memref_squeeze %dma_start3A_10 : memref<1x8xi32, #tpu.memory_space<hbm>> -> memref<8xi32, #tpu.memory_space<hbm>>
      tpu.enqueue_dma source(%dma_start3A_11 : memref<8xi32, #tpu.memory_space<hbm>>) target(%arg5 : memref<8xi32, #tpu.memory_space<vmem>>) target_semaphore(%run_scoped3A_7 : memref<!tpu.dma_semaphore, #tpu.memory_space<semaphore_mem>>)
      %dma_wait3A_12 = tpu.memref_slice %arg3[%run_scoped3A, %mul3A_2] : memref<1x256xi32, #tpu.memory_space<hbm>> -> memref<1x8xi32, #tpu.memory_space<hbm>>
      %dma_wait3A_13 = tpu.memref_squeeze %dma_wait3A_12 : memref<1x8xi32, #tpu.memory_space<hbm>> -> memref<8xi32, #tpu.memory_space<hbm>>
      %dma_wait3A_14 = tpu.memref_slice %arg3[%run_scoped3A, %mul3A_2] : memref<1x256xi32, #tpu.memory_space<hbm>> -> memref<1x8xi32, #tpu.memory_space<hbm>>
      %dma_wait3A_15 = tpu.memref_squeeze %dma_wait3A_14 : memref<1x8xi32, #tpu.memory_space<hbm>> -> memref<8xi32, #tpu.memory_space<hbm>>
      tpu.wait_dma2 semaphore(%run_scoped3A_7 : memref<!tpu.dma_semaphore, #tpu.memory_space<semaphore_mem>>) src(%dma_wait3A_15 : memref<8xi32, #tpu.memory_space<hbm>>) dst(%arg5 : memref<8xi32, #tpu.memory_space<vmem>>)
      tpu.yield
    }) : () -> ()
    %dma_start3A = arith.constant 0 : i32
    %dma_start3A_3 = arith.constant 0 : i32
    %dma_start3A_4 = tpu.memref_slice %arg2[%dma_start3A, %dma_start3A_3] : memref<256x3072xf32, #tpu.memory_space<hbm>> -> memref<256x3072xf32, #tpu.memory_space<hbm>>
    tpu.enqueue_indirect_dma source(%dma_start3A_4 : memref<256x3072xf32, #tpu.memory_space<hbm>>) target(%arg6 : memref<8x3072xf32, #tpu.memory_space<vmem>>) offsets(%arg5 : memref<8xi32, #tpu.memory_space<vmem>>) semaphore(%arg7 : memref<!tpu.dma_semaphore, #tpu.memory_space<semaphore_mem>>)
    %dma_wait3A = arith.constant 0 : i32
    %dma_wait3A_5 = arith.constant 0 : i32
    %dma_wait3A_6 = tpu.memref_slice %arg2[%dma_wait3A, %dma_wait3A_5] : memref<256x3072xf32, #tpu.memory_space<hbm>> -> memref<256x3072xf32, #tpu.memory_space<hbm>>
    tpu.wait_indirect_dma semaphore(%arg7 : memref<!tpu.dma_semaphore, #tpu.memory_space<semaphore_mem>>) src(%dma_wait3A_6 : memref<256x3072xf32, #tpu.memory_space<hbm>>) dst(%arg6 : memref<8x3072xf32, #tpu.memory_space<vmem>>)
    "tpu.region"() ({
      %run_scoped3A_7 = tpu.sem_alloc : memref<!tpu.dma_semaphore, #tpu.memory_space<semaphore_mem>>
      %dma_start3A_8 = arith.constant 0 : i32
      %dma_start3A_9 = tpu.memref_slice %arg4[%mul3A_2, %dma_start3A_8] : memref<256x3072xf32, #tpu.memory_space<hbm>> -> memref<8x3072xf32, #tpu.memory_space<hbm>>
      %dma_start3A_10 = arith.constant 0 : i32
      %dma_start3A_11 = tpu.memref_slice %arg4[%mul3A_2, %dma_start3A_10] : memref<256x3072xf32, #tpu.memory_space<hbm>> -> memref<8x3072xf32, #tpu.memory_space<hbm>>
      tpu.enqueue_dma source(%arg6 : memref<8x3072xf32, #tpu.memory_space<vmem>>) target(%dma_start3A_11 : memref<8x3072xf32, #tpu.memory_space<hbm>>) target_semaphore(%run_scoped3A_7 : memref<!tpu.dma_semaphore, #tpu.memory_space<semaphore_mem>>)
      %dma_wait3A_12 = arith.constant 0 : i32
      %dma_wait3A_13 = tpu.memref_slice %arg4[%mul3A_2, %dma_wait3A_12] : memref<256x3072xf32, #tpu.memory_space<hbm>> -> memref<8x3072xf32, #tpu.memory_space<hbm>>
      %dma_wait3A_14 = arith.constant 0 : i32
      %dma_wait3A_15 = tpu.memref_slice %arg4[%mul3A_2, %dma_wait3A_14] : memref<256x3072xf32, #tpu.memory_space<hbm>> -> memref<8x3072xf32, #tpu.memory_space<hbm>>
      tpu.wait_dma2 semaphore(%run_scoped3A_7 : memref<!tpu.dma_semaphore, #tpu.memory_space<semaphore_mem>>) src(%arg6 : memref<8x3072xf32, #tpu.memory_space<vmem>>) dst(%dma_wait3A_15 : memref<8x3072xf32, #tpu.memory_space<hbm>>)
      tpu.yield
    }) : () -> ()
    return
  }
}

module attributes {stable_mosaic.version = 14 : i64} {
  func.func @_tc_body(%arg0: i32, %arg1: memref<1x3x512x512xf32, #tpu.memory_space<vmem>>, %arg2: memref<256x3072xf32, #tpu.memory_space<vmem>>, %arg3: memref<1x256x3072xf32, #tpu.memory_space<vmem>>) attributes {dimension_semantics = [#tpu.dimension_semantics<parallel>], iteration_bounds = array<i64: 32>, scalar_prefetch = 0 : i64, scratch_operands = 0 : i64, tpu.core_type = #tpu.core_type<tc>, window_params = [{transform_indices = @transform_0, window_bounds = array<i64: 1, 3, 512, 512>}, {pipeline_mode = #tpu.pipeline_mode<synchronous>, transform_indices = @transform_1, window_bounds = array<i64: 256, 3072>}, {transform_indices = @transform_2, window_bounds = array<i64: 1, 256, 3072>}]} {
    %get3A = arith.constant 0 : index
    %get3A_0 = arith.constant 0 : index
    %get3A_1 = arith.constant 0 : index
    %get3A_2 = arith.constant 0 : index
    %get3A_3 = vector.load %arg1[%get3A, %get3A_0, %get3A_1, %get3A_2] : memref<1x3x512x512xf32, #tpu.memory_space<vmem>>, vector<1x3x512x512xf32>
    %get3A_4 = vector.shape_cast %get3A_3 : vector<1x3x512x512xf32> to vector<3x512x512xf32>
    %reshape3A = vector.shape_cast %get3A_4 : vector<3x512x512xf32> to vector<3x16x32x512xf32>
    %transpose3A = tpu.transpose %reshape3A, [0, 2, 1, 3] : vector<3x16x32x512xf32> -> vector<3x32x16x512xf32>
    %reshape3A_5 = vector.shape_cast %transpose3A : vector<3x32x16x512xf32> to vector<3x32x8192xf32>
    %bitcast_convert_type3A = tpu.bitcast %reshape3A_5 : vector<3x32x8192xf32> -> vector<3x32x8192xi32>
    %reshape3A_6 = vector.shape_cast %bitcast_convert_type3A : vector<3x32x8192xi32> to vector<96x8192xi32>
    %bitcast_convert_type3A_7 = tpu.bitcast %reshape3A_6 : vector<96x8192xi32> -> vector<96x8192xf32>
    %transpose3A_8 = tpu.transpose %bitcast_convert_type3A_7, [1, 0] : vector<96x8192xf32> -> vector<8192x96xf32>
    %reshape3A_9 = vector.shape_cast %transpose3A_8 : vector<8192x96xf32> to vector<256x32x96xf32>
    %transpose3A_10 = tpu.transpose %reshape3A_9, [1, 0, 2] : vector<256x32x96xf32> -> vector<32x256x96xf32>
    %reshape3A_11 = vector.shape_cast %transpose3A_10 : vector<32x256x96xf32> to vector<8192x96xf32>
    %transpose3A_12 = tpu.transpose %reshape3A_11, [1, 0] : vector<8192x96xf32> -> vector<96x8192xf32>
    %reshape3A_13 = vector.shape_cast %transpose3A_12 : vector<96x8192xf32> to vector<96x32x256xf32>
    %bitcast_convert_type3A_14 = tpu.bitcast %reshape3A_13 : vector<96x32x256xf32> -> vector<96x32x256xi32>
    %reshape3A_15 = vector.shape_cast %bitcast_convert_type3A_14 : vector<96x32x256xi32> to vector<3072x256xi32>
    %bitcast_convert_type3A_16 = tpu.bitcast %reshape3A_15 : vector<3072x256xi32> -> vector<3072x256xf32>
    %bitcast_convert_type3A_17 = tpu.bitcast %bitcast_convert_type3A_16 : vector<3072x256xf32> -> vector<3072x256xi32>
    %reshape3A_18 = vector.shape_cast %bitcast_convert_type3A_17 : vector<3072x256xi32> to vector<256x12x256xi32>
    %reshape3A_19 = vector.shape_cast %reshape3A_18 : vector<256x12x256xi32> to vector<256x3072xi32>
    %bitcast_convert_type3A_20 = tpu.bitcast %reshape3A_19 : vector<256x3072xi32> -> vector<256x3072xf32>
    %get3A_21 = arith.constant 0 : index
    %get3A_22 = arith.constant 0 : index
    %get3A_23 = vector.load %arg2[%get3A_21, %get3A_22] : memref<256x3072xf32, #tpu.memory_space<vmem>>, vector<256x3072xf32>
    %add3A = arith.addf %bitcast_convert_type3A_20, %get3A_23 : vector<256x3072xf32>
    %swap3A = arith.constant 0 : index
    %swap3A_24 = arith.constant 0 : index
    %swap3A_25 = arith.constant 0 : index
    %swap3A_26 = vector.load %arg3[%swap3A, %swap3A_24, %swap3A_25] : memref<1x256x3072xf32, #tpu.memory_space<vmem>>, vector<1x256x3072xf32>
    %swap3A_27 = vector.shape_cast %swap3A_26 : vector<1x256x3072xf32> to vector<256x3072xf32>
    %swap3A_28 = vector.shape_cast %add3A : vector<256x3072xf32> to vector<1x256x3072xf32>
    tpu.vector_store %arg3[%swap3A, %swap3A_24, %swap3A_25], %swap3A_28 {strides = array<i32>} : memref<1x256x3072xf32, #tpu.memory_space<vmem>>, vector<1x256x3072xf32>,
    return
  }
  func.func @transform_0(%arg0: i32) -> (i32, i32, i32, i32) {
    %c0_i32 = arith.constant 0 : i32
    %c0_i32_0 = arith.constant 0 : i32
    %c0_i32_1 = arith.constant 0 : i32
    %c0_i32_2 = arith.constant 0 : i32
    return %arg0, %c0_i32, %c0_i32_0, %c0_i32_1 : i32, i32, i32, i32
  }
  func.func @transform_1(%arg0: i32) -> (i32, i32) {
    %c0_i32 = arith.constant 0 : i32
    %c0_i32_0 = arith.constant 0 : i32
    %c0_i32_1 = arith.constant 0 : i32
    return %c0_i32, %c0_i32_0 : i32, i32
  }
  func.func @transform_2(%arg0: i32) -> (i32, i32, i32) {
    %c0_i32 = arith.constant 0 : i32
    %c0_i32_0 = arith.constant 0 : i32
    %c0_i32_1 = arith.constant 0 : i32
    return %arg0, %c0_i32, %c0_i32_0 : i32, i32, i32
  }
}

</mosaic_0001>

<sc_bundles>
// kernel: kernel.4.cloned.1.call-start
scs
__scs_entry_jumppad:
0x0: {  	(pc) =	sbr.rel $0x88, $3  }
0x1: {  	(tag) =	ssettag $0x0;
	lr =	simm.s32 $0x1  }
0x2: {  	[smem:$0x3F9E] =	sst lr;
	_ =	strace $0xD0000000  }
0x3: {  	_ = 	snop  }
0x4: {  	_ = 	snop  }
0x5: {  	_ = 	snop  }
0x6: {  	_ = 	snop  }
0x7: {  	_ = 	snop  }
__scs_overlays_trampoline_lowered:
0x8: {  	[smem:$0x3FAD] =	sst s0  }
0x9: {  	[smem:$0x3FAE] =	sst s1  }
0xa: {  	[smem:$0x3FAF] =	sst s2  }
0xb: {  	[smem:$0x3FB0] =	sst s3  }
0xc: {  	[smem:$0x3FB1] =	sst s4  }
0xd: {  	[smem:$0x3FB2] =	sst s5  }
0xe: {  	[smem:$0x3FB3] =	sst s6  }
0xf: {  	[smem:$0x3FB4] =	sst s7  }
0x10: {  	[smem:$0x3FB5] =	sst s8  }
0x11: {  	[smem:$0x3FB6] =	sst s9;
	s0 =	simm.s32 @!p0 $0x0  }
0x12: {  	s1 =	sld [smem:$0x3F9C];
	s0 =	simm.s32 @p0 $0x1  }
0x13: {  	[smem:$0x3FB7] =	sst s0;
	s0 =	simm.s32 @!p1 $0x0  }
0x14: {  	s2 =	sld [smem:$0x3F9B];
	s0 =	simm.s32 @p1 $0x1  }
0x15: {  	[smem:$0x3FB8] =	sst s0;
	s0 =	simm.s32 @!p2 $0x0  }
0x16: {  	s3 =	sld [smem:$0x3FDB];
	s0 =	simm.s32 @p2 $0x1  }
0x17: {  	s4 =	simm.s32 $0x1BF5;
	[smem:$0x3FBA] =	sst s0  }
0x18: {  	s0 =	sld [smem:$0x3F9D];
	_ =	swait.ge [sflag:s4], $0x0  }
0x19: {  	s7 =	sld [smem:$0x3F9E]  }
0x1a: {  	s8 =	sadd.s32 $0xFFFFE003, lr  }
0x1b: {  	s9 =	sadd.s32 $0xFFFFFEF7, lr;
	s5 =	simm.s32 $0xFFFFFFFF;
	p2 =	slt.u32 s8, $0xFFFFF086  }
0x1c: {  	p1 =	slt.u32 s9, $0xF7A;
	s5 =	simm.s32 @!p2 $0x0  }
0x1d: {  	s5 =	simm.s32 @p1 $0x1;
	p0 =	seq.s32 s7, s2  }
0x1e: {  	s7 =	smul.u32 @!p0 $0xF7A, s2;
	p2 =	seq.s32 @!p0 s5, $0x0  }
0x1f: {  	s9 =	smul.u32 $0xF7A, s1;
	s8 =	simm.s32 @!p0 $0x1BF5;
	p2 =	por !p2, p0  }
0x20: {  	[sflag:s8] =	ssyncset.s32 @!p0 $0xFFFFF086;
	s6 =	sadd.s32 @!p0 s3, s7;
	s7 =	simm.s32 @!p0 $0x108  }
0x21: {  	s3 =	sadd.s32 s3, s9;
	s6 =	sadd.s32 @!p0 $0x88, s6;
	s7 =	simm.s32 @p2 $0x1082  }
0x22: {  	[simem:s7], [sflag:s8] =	dma.local @!p0 [hbm:s6], $0xF7A  }
0x23: {  	s9 =	sor.u32 $0xD0000000, s2;
	s6 =	simm.s32 $0x108;
	_ =	swait.ge @!p0 [sflag:s8], $0x0  }
0x24: {  	s3 =	sadd.s32 $0x88, s3;
	s6 =	simm.s32 @!p1 $0x1082;
	[sflag:s4] =	ssyncset.s32 $0xFFFFF086  }
0x25: {  	[simem:s6], [sflag:s4] =	dma.local [hbm:s3], $0xF7A  }
0x26: {  	[smem:$0x3F9E] =	sst s1;
	(tag) =	ssettag s2;
	_ =	strace s9  }
0x27: {  	s1 =	sld [smem:$0x3FAE]  }
0x28: {  	s2 =	sld [smem:$0x3FAF]  }
0x29: {  	s4 =	sld [smem:$0x3FB1]  }
0x2a: {  	p0 =	seq.s32 s5, $0x0;
	s5 =	sld [smem:$0x3FB2]  }
0x2b: {  	s6 =	sld [smem:$0x3FB3]  }
0x2c: {  	s7 =	sld [smem:$0x3FB4]  }
0x2d: {  	s3 =	simm.s32 $0x108;
	s8 =	sld [smem:$0x3FB5]  }
0x2e: {  	s3 =	simm.s32 @!p0 $0x1082;
	s9 =	sld [smem:$0x3FB6]  }
0x2f: {  	lr =	sadd.s32 s0, s3;
	s0 =	sld [smem:$0x3FAD]  }
0x30: {  	s3 =	sld [smem:$0x3FB0]  }
0x31: {  	[smem:$0x3FB9] =	sst s10  }
0x32: {  	s10 =	sld [smem:$0x3FB7];
	_ =	sdelay $0x3  }
0x33: {  	p0 =	seq.s32 s10, $0x1;
	s10 =	sld [smem:$0x3FB9];
	_ =	sdelay $0x3  }
0x34: {  	[smem:$0x3FB9] =	sst s10  }
0x35: {  	s10 =	sld [smem:$0x3FB8];
	_ =	sdelay $0x3  }
0x36: {  	p1 =	seq.s32 s10, $0x1;
	s10 =	sld [smem:$0x3FB9];
	_ =	sdelay $0x3  }
0x37: {  	[smem:$0x3FB9] =	sst s10  }
0x38: {  	s10 =	sld [smem:$0x3FBA]  }
0x39: {  	_ = 	snop;
	(pc) =	sbr.ind lr, $3  }
0x3a: {  	_ = 	snop  }
0x3b: {  	_ = 	snop  }
0x3c: {  	p2 =	seq.s32 s10, $0x1;
	s10 =	sld [smem:$0x3FB9]  }
0x3d: {  	_ =	shalt  }
0x3e: {  	_ =	shalt  }
0x3f: {  	_ =	shalt  }
0x40: {  	_ =	shalt  }
0x41: {  	_ =	shalt  }
0x42: {  	_ =	shalt  }
0x43: {  	_ =	shalt  }
0x44: {  	_ =	shalt  }
0x45: {  	_ =	shalt  }
0x46: {  	_ =	shalt  }
0x47: {  	_ =	shalt  }
0x48: {  	_ =	shalt  }
0x49: {  	_ =	shalt  }
0x4a: {  	_ =	shalt  }
0x4b: {  	_ =	shalt  }
0x4c: {  	_ =	shalt  }
0x4d: {  	_ =	shalt  }
0x4e: {  	_ =	shalt  }
0x4f: {  	_ =	shalt  }
0x50: {  	_ =	shalt  }
0x51: {  	_ =	shalt  }
0x52: {  	_ =	shalt  }
0x53: {  	_ =	shalt  }
0x54: {  	_ =	shalt  }
0x55: {  	_ =	shalt  }
0x56: {  	_ =	shalt  }
0x57: {  	_ =	shalt  }
0x58: {  	_ =	shalt  }
0x59: {  	_ =	shalt  }
0x5a: {  	_ =	shalt  }
0x5b: {  	_ =	shalt  }
0x5c: {  	_ =	shalt  }
0x5d: {  	_ =	shalt  }
0x5e: {  	_ =	shalt  }
0x5f: {  	_ =	shalt  }
0x60: {  	_ =	shalt  }
0x61: {  	_ =	shalt  }
0x62: {  	_ =	shalt  }
0x63: {  	_ =	shalt  }
0x64: {  	_ =	shalt  }
0x65: {  	_ =	shalt  }
0x66: {  	_ =	shalt  }
0x67: {  	_ =	shalt  }
0x68: {  	_ =	shalt  }
0x69: {  	_ =	shalt  }
0x6a: {  	_ =	shalt  }
0x6b: {  	_ =	shalt  }
0x6c: {  	_ =	shalt  }
0x6d: {  	_ =	shalt  }
0x6e: {  	_ =	shalt  }
0x6f: {  	_ =	shalt  }
0x70: {  	_ =	shalt  }
0x71: {  	_ =	shalt  }
0x72: {  	_ =	shalt  }
0x73: {  	_ =	shalt  }
0x74: {  	_ =	shalt  }
0x75: {  	_ =	shalt  }
0x76: {  	_ =	shalt  }
0x77: {  	_ =	shalt  }
0x78: {  	_ =	shalt  }
0x79: {  	_ =	shalt  }
0x7a: {  	_ =	shalt  }
0x7b: {  	_ =	shalt  }
0x7c: {  	_ =	shalt  }
0x7d: {  	_ =	shalt  }
0x7e: {  	_ =	shalt  }
0x7f: {  	_ =	shalt  }
0x80: {  	_ =	shalt  }
0x81: {  	_ =	shalt  }
0x82: {  	_ =	shalt  }
0x83: {  	_ =	shalt  }
0x84: {  	_ =	shalt  }
0x85: {  	_ =	shalt  }
0x86: {  	_ =	shalt  }
0x87: {  	_ =	shalt  }
.Lfunc_end0:
.L_simem_size_0:
called_computation_lowered:
.L_overlay_start_0:
0x88: {  	s2 =	sld [smem:$0x3FD9]  }
0x89: {  	s3 =	sld [smem:$0x3FFE];
	_ =	sdelay $0x1  }
0x8a: {  	s1 =	srdreg.scid  }
0x8b: {  	s0 =	sand.u32 $0x1, s1  }
0x8c: {  	s18 =	sshll.u32 s0, $0xA;
	s2 =	sadd.s32 s3, s2  }
0x8d: {  	s2 =	sadd.s32 s2, s18  }
0x8e: {  	[smem:$0x3FC5] =	sst s2  }
0x8f: {  	_ = 	snop  }
0x90: {  	s2 =	sld [smem:$0x3FC8]  }
0x91: {  	s19 =	sld [smem:$0x3FC7]  }
0x92: {  	s4 =	sld [smem:$0x3FD0];
	(tm) =	ssettm $0x1  }
0x93: {  	s5 =	sld [smem:$0x3FFB];
	_ =	sdelay $0x3  }
0x94: {  	_ =	strace s5  }
0x95: {  	s5 =	sld [smem:$0x3FFC];
	_ =	sdelay $0x3  }
0x96: {  	_ =	strace s5  }
0x97: {  	s5 =	sld [smem:$0x3FFD];
	_ =	sdelay $0x3  }
0x98: {  	_ =	strace s5  }
0x99: {  	_ =	strace $0x8FFFFFFF  }
0x9a: {  	s20 =	sld [smem:$0x3FDB];
	_ =	sdelay $0x1  }
0x9b: {  	s6 =	simm.s32 $_scs_section_size  }
0x9c: {  	s7 =	simm.s32 $_size__tile_overlayer_lowered;
	s8 =	simm.s32 $_tile_overlayer_lowered  }
0x9d: {  	s23 =	simm.s32 $0x1BFF;
	s22 =	sshll.u32 s8, $0x1;
	s5 =	sadd.s32 s6, s20  }
0x9e: {  	s9 =	simm.s32 $0x0;
	s21 =	sshll.u32 s7, $0x1;
	s7 =	sadd.s32 s22, s5  }
0x9f: {  	[timem:s9], [sflag:s23] =	dma.local [hbm:s7], s21  }
0xa0: {  	_ =	swait.ge [sflag:s23], s21  }
0xa1: {  	s6 =	ssub.s32 $0x0, s21;
	[sflag:s23] =	ssyncset.done $0x0  }
0xa2: {  	[sflag:s23] =	ssyncadd.s32 s6;
	_ =	sdelay $0x1  }
0xa3: {  	s24 =	simm.s32 $0x1B8B  }
0xa4: {  	_ =	swait.ge [sflag:s24], $0x1  }
0xa5: {  	[sflag:s24] =	ssyncset.done $0x0  }
0xa6: {  	s25 =	simm.s32 $0x1B8E;
	[sflag:s24] =	ssyncadd.s32 $0xFFFFFFFF  }
0xa7: {  	s26 =	simm.s32 $execute0_lowered;
	[smem:$0x3FD2] =	sst s25  }
0xa8: {  	s6 =	sshll.u32 s26, $0x1;
	_ =	strace $0x80000046;
	[dreg:$0x1] =	wrdreg $0xFFFFFFFF  }
0xa9: {  	s28 =	simm.s32 $_size_execute0_lowered;
	s5 =	sadd.s32 s5, s6;
	[dreg:$0x0] =	wrdreg $0x0  }
0xaa: {  	s6 =	sshll.u32 s28, $0x1;
	[dreg:$0x2] =	wrdreg s5  }
0xab: {  	[dreg:$0x3] =	wrdreg s6  }
0xac: {  	[dreg:$0x4] =	wrdreg $0xC0  }
0xad: {  	_ =	task [dreg:s9], $0x5FFFF  }
0xae: {  	[dreg:$0x1] =	wrdreg $0xFFFFFFFF  }
0xaf: {  	[dreg:$0x0] =	wrdreg $0x60  }
0xb0: {  	[dreg:$0x2] =	wrdreg s2  }
0xb1: {  	[dreg:$0x3] =	wrdreg s19  }
0xb2: {  	[dreg:$0x4] =	wrdreg s4  }
0xb3: {  	[dreg:$0x5] =	wrdreg $0x9  }
0xb4: {  	_ =	task.clear_ibuf [dreg:s9], $0x6FFFF;
	_ =	strace $0x90000046  }
0xb5: {  	s29 =	simm.s32 $0x9;
	_ =	strace $0x80000048  }
0xb6: {  	_ =	swait.ge [sflag:s29], $0x1  }
0xb7: {  	[sflag:s29] =	ssyncadd.s32 $0xFFFFFFFF  }
0xb8: {  	_ =	strace $0x90000048  }
0xb9: {  	_ =	sfence  }
0xba: {  	s30 =	sld [smem:$0x0];
	_ =	sdelay $0x2  }
0xbb: {  	s31 =	sshll.u32 s1, $0xD;
	s1 =	sshrl.u32 s1, $0x2  }
0xbc: {  	s3 =	sand.u32 $0x4000, s31;
	s1 =	sadd.s32 s1, s30  }
0xbd: {  	s0 =	sor.u32 s3, s0;
	s1 =	sshll.u32 s1, $0x11  }
0xbe: {  	s0 =	sor.u32 s1, s0  }
0xbf: {  	s0 =	sadd.s32 $0x8F2B, s0  }
0xc0: {  	[sflag:s0] =	ssyncadd.remote.s32 $0x1  }
0xc1: {  	_ =	sfence.sel $0xFFFF  }
0xc2: {  	[dreg:$0x0] =	wrdreg $0xFFFFFFFF;
	(pc) =	sbr.abs _section_cstart, $3  }
0xc3: {  	[dreg:$0x1] =	wrdreg $0xFFFFFFFF  }
0xc4: {  	_ =	task.clear_ibuf [dreg:s9], $0x2FFFF;
	_ =	strace $0x9FFFFFFF  }
0xc5: {  	(tm) =	ssettm $0x7FFFFFFF  }
tec
execute0_lowered:
.L_overlay_start_1:
0x0: {  	(tag) =	ssettag $0x1  }
0x1: {  	s3 =	rddreg [dreg:$0x0]  }
0x2: {  	s0 =	rddreg [dreg:$0x1]  }
0x3: {  	s4 =	rddreg [dreg:$0x2];
	s2 =	srdreg.scid  }
0x4: {  	s1 =	stileid.u32;
	s18 =	simm.s32 $0x880;
	s19 =	simm.s32 $0x1080  }
0x5: {  	s20 =	simm.s32 $0x1880;
	s21 =	simm.s32 $0x2080;
	s22 =	simm.s32 $0x2880  }
0x6: {  	s23 =	simm.s32 $0x3080;
	s24 =	simm.s32 $0x3880;
	p0 =	por $0x0, $0x0  }
0x7: {  	s28 =	simm.s32 $0x5080;
	s30 =	simm.s32 $0x5880;
	s29 =	simm.s32 $0x1  }
0x8: {  	s5 =	sand.u32 $0x1, s2;
	s2 =	simm.s32 $0x0;
	s7 =	sshll.u32 s1, $0x1  }
0x9: {  	s9 =	sadd.s32 $0x400, s3;
	s10 =	sadd.s32 $0x500, s3;
	s6 =	ssub.s32 $0x2, s5  }
0xa: {  	s11 =	sadd.s32 $0x600, s3;
	s12 =	sadd.s32 $0x700, s3;
	s8 =	sshrl.u32 s6, $0x1  }
0xb: {  	s13 =	sadd.s32 $0x800, s3;
	s14 =	sadd.s32 $0x900, s3;
	s17 =	ssub.s32 s6, s8  }
0xc: {  	s15 =	sadd.s32 $0xA00, s3;
	s5 =	sor.u32 s5, s7;
	s26 =	smax.u32 s17, $0x1  }
0xd: {  	s16 =	sadd.s32 $0xB00, s3;
	s25 =	smul.u32 $0xC00, s5;
	p1 =	sne.s32 s26, $0x1  }
.Ltmp0:
0xe: {  	[smem:$0x7FF] =	sst s2;
	s0 =	sadd.s32 s0, s5;
	(pc) =	sbr.rel @!p1 .LBB2_3-.Ltmp0, $4  }
0xf: {  	s7 =	sadd.s32 $0x200, s3;
	_ =	strace $0x80000047;
	[dreg:$0x4] =	wrdreg s0  }
0x10: {  	v0 =	vlaneseq.u32;
	s6 =	sadd.s32 $0x100, s3;
	s8 =	sadd.s32 $0x300, s3;
	s5 =	sadd.s32 s4, s25  }
0x11: {  	v1 =	vshrl.u32 v0, $0x3;
	s4 =	simm.s32 $0x2;
	s17 =	simm.s32 $0x80;
	s25 =	simm.s32 $0x4080  }
0x12: {  	vm0 =	vmmov $0xffff;
	v0 =	vand.u32 $0x7, v0;
	v1 =	vmul.u32 $0x8, v1;
	s0 =	rddreg [dreg:$0x4];
	s31 =	sadd.s32 $0xFFFFFFFF, s26;
	s26 =	simm.s32 $0x4880  }
0x13: {  	[tilespmem:s2], [sflag:$0x2] =	stream.linear.gather [hbm4b:s0+s2], $0x8, $0x38;
	[tilespmem:$0x6080] =	vst v63  }
0x14: {  	_ =	swait.ge [sflag:s4], $0x8  }
0x15: {  	[sflag:s4] =	ssyncset.done $0x0  }
0x16: {  	[sflag:s4] =	ssyncadd.s32 $0xFFFFFFF8  }
0x17: {  	v2 =	vld.msk [tilespmem:$0x0], $0xff;
	_ =	sdelay $0x4  }
0x18: {  	v3 =	vshrl.u32 v2, $0x3  }
0x19: {  	v3 =	vmul.u32 $0xC0, v3  }
0x1a: {  	v2 =	vand.u32 $0x7, v2  }
0x1b: {  	v2 =	vor.u32 v2, v3  }
0x1c: {  	v2 =	vperm.xlane v2, v0;
	_ =	sdelay $0x1  }
0x1d: {  	v2 =	vadd.s32 v1, v2;
	_ =	sdelay $0x4  }
0x1e: {  	[tilespmem:s17], [sflag:$0x1] =	stream.indirect_vreg.gather [hbm4b:s3+s2], $0x80, v2, vm0, $0xb8;
	[tilespmem:$0x6080] =	vst v63  }
0x1f: {  	_ = 	snop  }
0x20: {  	[tilespmem:s18], [sflag:$0x1] =	stream.indirect_vreg.gather [hbm4b:s6+s2], $0x80, v2, vm0, $0xb8;
	[tilespmem:$0x6080] =	vst v63  }
0x21: {  	_ = 	snop  }
0x22: {  	[tilespmem:s19], [sflag:$0x1] =	stream.indirect_vreg.gather [hbm4b:s7+s2], $0x80, v2, vm0, $0xb8;
	[tilespmem:$0x6080] =	vst v63  }
0x23: {  	_ = 	snop  }
0x24: {  	[tilespmem:s20], [sflag:$0x1] =	stream.indirect_vreg.gather [hbm4b:s8+s2], $0x80, v2, vm0, $0xb8;
	[tilespmem:$0x6080] =	vst v63  }
0x25: {  	_ = 	snop  }
0x26: {  	[tilespmem:s21], [sflag:$0x1] =	stream.indirect_vreg.gather [hbm4b:s9+s2], $0x80, v2, vm0, $0xb8;
	[tilespmem:$0x6080] =	vst v63  }
0x27: {  	_ = 	snop  }
0x28: {  	[tilespmem:s22], [sflag:$0x1] =	stream.indirect_vreg.gather [hbm4b:s10+s2], $0x80, v2, vm0, $0xb8;
	[tilespmem:$0x6080] =	vst v63  }
0x29: {  	_ = 	snop  }
0x2a: {  	[tilespmem:s23], [sflag:$0x1] =	stream.indirect_vreg.gather [hbm4b:s11+s2], $0x80, v2, vm0, $0xb8;
	[tilespmem:$0x6080] =	vst v63  }
0x2b: {  	_ = 	snop  }
0x2c: {  	[tilespmem:s24], [sflag:$0x1] =	stream.indirect_vreg.gather [hbm4b:s12+s2], $0x80, v2, vm0, $0xb8;
	[tilespmem:$0x6080] =	vst v63  }
0x2d: {  	_ = 	snop  }
0x2e: {  	[tilespmem:s25], [sflag:$0x1] =	stream.indirect_vreg.gather [hbm4b:s13+s2], $0x80, v2, vm0, $0xb8;
	[tilespmem:$0x6080] =	vst v63  }
0x2f: {  	_ = 	snop  }
0x30: {  	[tilespmem:s26], [sflag:$0x1] =	stream.indirect_vreg.gather [hbm4b:s14+s2], $0x80, v2, vm0, $0xb8;
	[tilespmem:$0x6080] =	vst v63  }
0x31: {  	_ = 	snop  }
0x32: {  	[tilespmem:s28], [sflag:$0x1] =	stream.indirect_vreg.gather [hbm4b:s15+s2], $0x80, v2, vm0, $0xb8;
	[tilespmem:$0x6080] =	vst v63  }
0x33: {  	_ = 	snop  }
0x34: {  	[tilespmem:s30], [sflag:$0x1] =	stream.indirect_vreg.gather [hbm4b:s16+s2], $0x80, v2, vm0, $0xb8;
	[tilespmem:$0x6080] =	vst v63  }
0x35: {  	p1 =	sne.s32 s31, $0x1;
	_ =	swait.ge [sflag:s29], $0x6000  }
.Ltmp1:
0x36: {  	[sflag:s29] =	ssyncset.done $0x0;
	(pc) =	sbr.rel @!p1 .LBB2_3-.Ltmp1, $4  }
0x37: {  	[sflag:s29] =	ssyncadd.s32 $0xFFFFA000  }
0x38: {  	[hbm4b:s5+s2] =	stream.linear.scatter [tilespmem:s17], [sflag:$0x2], $0x6000, $0x38;
	[tilespmem:$0x6080] =	vst v63  }
0x39: {  	s31 =	sadd.s32 $0xFFFFFFFF, s31;
	_ =	swait.ge [sflag:s4], $0x6000  }
0x3a: {  	p0 =	por $0x1, $0x1;
	s0 =	rddreg [dreg:$0x4];
	[sflag:s4] =	ssyncset.done $0x0  }
.LBB2_2:
0x3b: {  	[sflag:s4] =	ssyncadd.s32 $0xFFFFA000  }
0x3c: {  	[tilespmem:s2], [sflag:$0x2] =	stream.linear.gather [hbm4b:s0+s2], $0x8, $0x38;
	[tilespmem:$0x6080] =	vst v63  }
0x3d: {  	_ =	swait.ge [sflag:s4], $0x8  }
0x3e: {  	[sflag:s4] =	ssyncset.done $0x0  }
0x3f: {  	[sflag:s4] =	ssyncadd.s32 $0xFFFFFFF8  }
0x40: {  	v2 =	vld.msk [tilespmem:$0x0], $0xff;
	_ =	sdelay $0x4  }
0x41: {  	v3 =	vshrl.u32 v2, $0x3  }
0x42: {  	v3 =	vmul.u32 $0xC0, v3  }
0x43: {  	v2 =	vand.u32 $0x7, v2  }
0x44: {  	v2 =	vor.u32 v2, v3  }
0x45: {  	v2 =	vperm.xlane v2, v0;
	_ =	sdelay $0x1  }
0x46: {  	v2 =	vadd.s32 v1, v2;
	_ =	sdelay $0x4  }
0x47: {  	[tilespmem:s17], [sflag:$0x1] =	stream.indirect_vreg.gather [hbm4b:s3+s2], $0x80, v2, vm0, $0xb8;
	[tilespmem:$0x6080] =	vst v63  }
0x48: {  	_ = 	snop  }
0x49: {  	[tilespmem:s18], [sflag:$0x1] =	stream.indirect_vreg.gather [hbm4b:s6+s2], $0x80, v2, vm0, $0xb8;
	[tilespmem:$0x6080] =	vst v63  }
0x4a: {  	_ = 	snop  }
0x4b: {  	[tilespmem:s19], [sflag:$0x1] =	stream.indirect_vreg.gather [hbm4b:s7+s2], $0x80, v2, vm0, $0xb8;
	[tilespmem:$0x6080] =	vst v63  }
0x4c: {  	_ = 	snop  }
0x4d: {  	[tilespmem:s20], [sflag:$0x1] =	stream.indirect_vreg.gather [hbm4b:s8+s2], $0x80, v2, vm0, $0xb8;
	[tilespmem:$0x6080] =	vst v63  }
0x4e: {  	_ = 	snop  }
0x4f: {  	[tilespmem:s21], [sflag:$0x1] =	stream.indirect_vreg.gather [hbm4b:s9+s2], $0x80, v2, vm0, $0xb8;
	[tilespmem:$0x6080] =	vst v63  }
0x50: {  	_ = 	snop  }
0x51: {  	[tilespmem:s22], [sflag:$0x1] =	stream.indirect_vreg.gather [hbm4b:s10+s2], $0x80, v2, vm0, $0xb8;
	[tilespmem:$0x6080] =	vst v63  }
0x52: {  	_ = 	snop  }
0x53: {  	[tilespmem:s23], [sflag:$0x1] =	stream.indirect_vreg.gather [hbm4b:s11+s2], $0x80, v2, vm0, $0xb8;
	[tilespmem:$0x6080] =	vst v63  }
0x54: {  	_ = 	snop  }
0x55: {  	[tilespmem:s24], [sflag:$0x1] =	stream.indirect_vreg.gather [hbm4b:s12+s2], $0x80, v2, vm0, $0xb8;
	[tilespmem:$0x6080] =	vst v63  }
0x56: {  	_ = 	snop  }
0x57: {  	[tilespmem:s25], [sflag:$0x1] =	stream.indirect_vreg.gather [hbm4b:s13+s2], $0x80, v2, vm0, $0xb8;
	[tilespmem:$0x6080] =	vst v63  }
0x58: {  	_ = 	snop  }
0x59: {  	[tilespmem:s26], [sflag:$0x1] =	stream.indirect_vreg.gather [hbm4b:s14+s2], $0x80, v2, vm0, $0xb8;
	[tilespmem:$0x6080] =	vst v63  }
0x5a: {  	_ = 	snop  }
0x5b: {  	[tilespmem:s28], [sflag:$0x1] =	stream.indirect_vreg.gather [hbm4b:s15+s2], $0x80, v2, vm0, $0xb8;
	[tilespmem:$0x6080] =	vst v63  }
0x5c: {  	_ = 	snop  }
0x5d: {  	[tilespmem:s30], [sflag:$0x1] =	stream.indirect_vreg.gather [hbm4b:s16+s2], $0x80, v2, vm0, $0xb8;
	[tilespmem:$0x6080] =	vst v63  }
0x5e: {  	p1 =	sne.s32 s31, $0x1;
	_ =	swait.ge [sflag:s29], $0x6000  }
.Ltmp2:
0x5f: {  	[sflag:s29] =	ssyncset.done $0x0;
	(pc) =	sbr.rel @p1 .LBB2_2-.Ltmp2, $4  }
0x60: {  	[sflag:s29] =	ssyncadd.s32 $0xFFFFA000  }
0x61: {  	[hbm4b:s5+s2] =	stream.linear.scatter [tilespmem:s17], [sflag:$0x2], $0x6000, $0x38;
	[tilespmem:$0x6080] =	vst v63  }
0x62: {  	_ =	swait.ge [sflag:s4], $0x6000  }
0x63: {  	s31 =	sadd.s32 $0xFFFFFFFF, s31;
	s0 =	rddreg [dreg:$0x4];
	[sflag:s4] =	ssyncset.done $0x0  }
.LBB2_3:
0x64: {  	[sflag:s4] =	ssyncadd.s32 @p0 $0xFFFFA000  }
0x65: {  	[tilespmem:s2], [sflag:$0x2] =	stream.linear.gather [hbm4b:s0+s2], $0x8, $0x38;
	[tilespmem:$0x6080] =	vst v63  }
0x66: {  	_ =	swait.ge [sflag:s4], $0x8  }
0x67: {  	[sflag:s4] =	ssyncset.done $0x0  }
0x68: {  	[sflag:s4] =	ssyncadd.s32 $0xFFFFFFF8  }
0x69: {  	v2 =	vld.msk [tilespmem:$0x0], $0xff;
	_ =	sdelay $0x4  }
0x6a: {  	v3 =	vshrl.u32 v2, $0x3  }
0x6b: {  	v3 =	vmul.u32 $0xC0, v3  }
0x6c: {  	v2 =	vand.u32 $0x7, v2  }
0x6d: {  	v2 =	vor.u32 v2, v3  }
0x6e: {  	v0 =	vperm.xlane v2, v0;
	_ =	sdelay $0x1  }
0x6f: {  	v0 =	vadd.s32 v1, v0;
	_ =	sdelay $0x4  }
0x70: {  	[tilespmem:s17], [sflag:$0x1] =	stream.indirect_vreg.gather [hbm4b:s3+s2], $0x80, v0, vm0, $0xb8;
	[tilespmem:$0x6080] =	vst v63  }
0x71: {  	_ = 	snop  }
0x72: {  	[tilespmem:s18], [sflag:$0x1] =	stream.indirect_vreg.gather [hbm4b:s6+s2], $0x80, v0, vm0, $0xb8;
	[tilespmem:$0x6080] =	vst v63  }
0x73: {  	_ = 	snop  }
0x74: {  	[tilespmem:s19], [sflag:$0x1] =	stream.indirect_vreg.gather [hbm4b:s7+s2], $0x80, v0, vm0, $0xb8;
	[tilespmem:$0x6080] =	vst v63  }
0x75: {  	_ = 	snop  }
0x76: {  	[tilespmem:s20], [sflag:$0x1] =	stream.indirect_vreg.gather [hbm4b:s8+s2], $0x80, v0, vm0, $0xb8;
	[tilespmem:$0x6080] =	vst v63  }
0x77: {  	_ = 	snop  }
0x78: {  	[tilespmem:s21], [sflag:$0x1] =	stream.indirect_vreg.gather [hbm4b:s9+s2], $0x80, v0, vm0, $0xb8;
	[tilespmem:$0x6080] =	vst v63  }
0x79: {  	_ = 	snop  }
0x7a: {  	[tilespmem:s22], [sflag:$0x1] =	stream.indirect_vreg.gather [hbm4b:s10+s2], $0x80, v0, vm0, $0xb8;
	[tilespmem:$0x6080] =	vst v63  }
0x7b: {  	_ = 	snop  }
0x7c: {  	[tilespmem:s23], [sflag:$0x1] =	stream.indirect_vreg.gather [hbm4b:s11+s2], $0x80, v0, vm0, $0xb8;
	[tilespmem:$0x6080] =	vst v63  }
0x7d: {  	_ = 	snop  }
0x7e: {  	[tilespmem:s24], [sflag:$0x1] =	stream.indirect_vreg.gather [hbm4b:s12+s2], $0x80, v0, vm0, $0xb8;
	[tilespmem:$0x6080] =	vst v63  }
0x7f: {  	_ = 	snop  }
0x80: {  	[tilespmem:s25], [sflag:$0x1] =	stream.indirect_vreg.gather [hbm4b:s13+s2], $0x80, v0, vm0, $0xb8;
	[tilespmem:$0x6080] =	vst v63  }
0x81: {  	_ = 	snop  }
0x82: {  	[tilespmem:s26], [sflag:$0x1] =	stream.indirect_vreg.gather [hbm4b:s14+s2], $0x80, v0, vm0, $0xb8;
	[tilespmem:$0x6080] =	vst v63  }
0x83: {  	_ = 	snop  }
0x84: {  	[tilespmem:s28], [sflag:$0x1] =	stream.indirect_vreg.gather [hbm4b:s15+s2], $0x80, v0, vm0, $0xb8;
	[tilespmem:$0x6080] =	vst v63  }
0x85: {  	_ = 	snop  }
0x86: {  	[tilespmem:s30], [sflag:$0x1] =	stream.indirect_vreg.gather [hbm4b:s16+s2], $0x80, v0, vm0, $0xb8;
	[tilespmem:$0x6080] =	vst v63  }
0x87: {  	_ =	swait.ge [sflag:s29], $0x6000  }
0x88: {  	[sflag:s29] =	ssyncset.done $0x0  }
0x89: {  	[sflag:s29] =	ssyncadd.s32 $0xFFFFA000  }
0x8a: {  	[hbm4b:s5+s2] =	stream.linear.scatter [tilespmem:s17], [sflag:$0x2], $0x6000, $0x38;
	[tilespmem:$0x6080] =	vst v63  }
0x8b: {  	_ =	swait.ge [sflag:s4], $0x6000  }
0x8c: {  	[sflag:s4] =	ssyncset.done $0x0  }
0x8d: {  	[sflag:s4] =	ssyncadd.s32 $0xFFFFA000  }
0x8e: {  	_ =	sfence.sel $0x180000  }
0x8f: {  	[bflag:$0x0] =	sbarrier.arrive $0xFFFF  }
0x90: {  	_ =	strace $0x90000047  }
0x91: {  	[bflag:$0x2] =	sbarrier.arrive $0xFFFF  }
0x92: {  	p0 =	sne.s32 s1, $0x0;
	s0 =	rddreg [dreg:$0x3]  }
0x93: {  	s0 =	sadd.s32 @!p0 $0x100000, s0  }
0x94: {  	[sflag:s0] =	ssyncadd.tile.s32 @!p0 $0x1;
	_ =	shalt  }
.Lfunc_end2:
_tile_overlayer_lowered:
.L_overlay_start_2:
0x95: {  	(tag) =	ssettag $0x2  }
0x96: {  	s0 =	rddreg [dreg:$0x0];
	s2 =	stileid.u32  }
0x97: {  	s1 =	rddreg [dreg:$0x1];
	p0 =	sne.s32 s2, $0x0  }
0x98: {  	s3 =	rddreg [dreg:$0x2];
	[bflag:$0x3] =	sbarrier.arrive $0xFFFF;
	s2 =	simm.s32 @!p0 $0x1C02  }
0x99: {  	[timem:s3], [sflag:s2] =	dma.local @!p0 [hbm:s0], s1  }
0x9a: {  	s0 =	simm.s32 @!p0 $0x2  }
0x9b: {  	_ =	swait.ge @!p0 [sflag:s0], s1  }
0x9c: {  	s1 =	ssub.s32 @!p0 $0x0, s1;
	[sflag:s0] =	ssyncset.done @!p0 $0x0  }
0x9d: {  	[sflag:s0] =	ssyncadd.s32 @!p0 s1  }
0x9e: {  	[bflag:$0x3] =	sbarrier.arrive $0xFFFF  }
0x9f: {  	_ =	shalt  }

</sc_bundles>
